<compile_context>
chip_gen: v7x
topology: tpu7x:2x2x1
jax: 0.10.2.dev20260603
libtpu: 0.0.44.dev20260713+nightly
codegen_flags: <defaults>
</compile_context>

<pallas_src>
import functools

import jax
import jax.numpy as jnp
from jax import lax
from jax.experimental import pallas as pl
from jax.experimental.pallas import tpu as pltpu
from jax.experimental.pallas import tpu_sc as plsc

_NUM_CORES = 2
_NUM_SUBCORES = 16
_NUM_WORKERS = _NUM_CORES * _NUM_SUBCORES

_CHUNK = 32
_NBUF = 4


def _make_gather(batch: int, seq: int, d_model: int, dtype):
    half = _NUM_WORKERS // 2
    n_rows = batch * seq
    rows_per_w = n_rows // half
    n_chunks = rows_per_w // _CHUNK
    assert n_rows % half == 0 and rows_per_w % _CHUNK == 0 and n_chunks >= _NBUF
    assert seq % rows_per_w == 0 or rows_per_w % seq == 0
    mesh = plsc.VectorSubcoreMesh(
        core_axis_name="c", subcore_axis_name="s",
        num_cores=_NUM_CORES, num_subcores=_NUM_SUBCORES,
    )
    out = jax.ShapeDtypeStruct((batch, seq, d_model), dtype)

    @functools.partial(
        pl.kernel,
        out_type=(out, out),
        mesh=mesh,
        scratch_types=[
            pltpu.VMEM((rows_per_w,), jnp.int32),
            pltpu.VMEM((_NBUF, _CHUNK, d_model), dtype),
            pltpu.SemaphoreType.DMA,
            pltpu.SemaphoreType.DMA,
        ],
    )
    def gather_kernel(enc_hbm, dec_hbm, table_hbm, enc_out, dec_out,
                      idx_v, rows_v, gsem, osem):
        wid = lax.axis_index("s") * _NUM_CORES + lax.axis_index("c")

        def run(idx_hbm, out_hbm, slot):
            b = (slot * rows_per_w) // seq
            t0 = (slot * rows_per_w) % seq

            def idx_slice(i):
                return idx_v.at[pl.ds(i * _CHUNK, _CHUNK)]

            def out_slice(i):
                return out_hbm.at[b, pl.ds(t0 + i * _CHUNK, _CHUNK), :]

            pltpu.sync_copy(idx_hbm.at[b, pl.ds(t0, _CHUNK)], idx_v.at[pl.ds(0, _CHUNK)])
            pltpu.async_copy(table_hbm.at[idx_slice(0)], rows_v.at[0], gsem)
            pltpu.make_async_copy(table_hbm.at[idx_slice(0)], rows_v.at[0], gsem).wait()
            pltpu.async_copy(rows_v.at[0], out_slice(0), osem)
            pltpu.make_async_copy(rows_v.at[0], out_slice(0), osem).wait()

        @pl.when(wid < half)
        def _():
            run(enc_hbm, enc_out, wid)

        @pl.when(wid >= half)
        def _():
            run(dec_hbm, dec_out, wid - half)

    return gather_kernel


@jax.jit
def kernel(input_ids, decoder_input_ids, table):
    b, s = input_ids.shape
    d = table.shape[1]
    return _make_gather(b, s, d, table.dtype)(
        input_ids.astype(jnp.int32), decoder_input_ids.astype(jnp.int32), table
    )

# --- scband reference (transcript-rebuilt; emitter-appended) ---
"""Pipeline reference for scband-shared-embedding-65893388255263 (READ-ONLY COPY).

The authoritative reference and input builder live on the scoring server;
editing this copy changes nothing except your own understanding.
"""

import jax, jax.numpy as jnp
import numpy as np

VOCAB = 100000
D_MODEL = 768
BATCH = 4
SEQ = 2048


def setup_inputs(seed: int = 0) -> dict:
    key = jax.random.key(seed)
    k1, k2, k3 = jax.random.split(key, 3)
    input_ids = jax.random.randint(k1, (BATCH, SEQ), 0, VOCAB, dtype=jnp.int64 if jax.config.jax_enable_x64 else jnp.int32)
    decoder_input_ids = jax.random.randint(k2, (BATCH, SEQ), 0, VOCAB, dtype=jnp.int64 if jax.config.jax_enable_x64 else jnp.int32)
    table = jax.random.normal(k3, (VOCAB, D_MODEL), dtype=jnp.float32)
    return {"input_ids": input_ids, "decoder_input_ids": decoder_input_ids, "table": table}


def reference(input_ids, decoder_input_ids, table):
    # _combine_inputs: concat encoder and decoder ids along sequence dim
    idx = input_ids.shape[1]
    combined = jnp.concatenate([input_ids, decoder_input_ids], axis=1)
    # shared embedding lookup (gather)
    embeds = jnp.take(table, combined, axis=0)
    # _separate_inputs: split back into encoder / decoder embeddings
    encoder_inputs_embeds = embeds[:, :idx, :]
    decoder_inputs_embeds = embeds[:, idx:, :]
    # encoder_embed_scale / decoder_embed_scale are None -> no scaling applied
    return (encoder_inputs_embeds, decoder_inputs_embeds)

if __name__ == "__main__":
    import jax
    _d = setup_inputs()
    print(jax.jit(kernel)(*tuple(_d.values())))

</pallas_src>

<mosaic_0001>
#map = affine_map<(d0, d1) -> (0, 0)>
#map1 = affine_map<(d0, d1) -> (0, 0, 0)>
module attributes {stable_mosaic.version = 14 : i64} {
  func.func @gather_kernel(%arg0: i32, %arg1: i32, %arg2: memref<4x2048xi32, #tpu.memory_space<hbm>>, %arg3: memref<4x2048xi32, #tpu.memory_space<hbm>>, %arg4: memref<100000x768xf32, #tpu.memory_space<hbm>>, %arg5: memref<4x2048x768xf32, #tpu.memory_space<hbm>>, %arg6: memref<4x2048x768xf32, #tpu.memory_space<hbm>>, %arg7: memref<512xi32, #tpu.memory_space<vmem>>, %arg8: memref<4x32x768xf32, #tpu.memory_space<vmem>>, %arg9: memref<!tpu.dma_semaphore, #tpu.memory_space<semaphore_mem>>, %arg10: memref<!tpu.dma_semaphore, #tpu.memory_space<semaphore_mem>>) attributes {dimension_semantics = [#tpu.dimension_semantics<core_parallel>, #tpu.dimension_semantics<subcore_parallel>], iteration_bounds = array<i64: 2, 16>, scalar_prefetch = 0 : i64, scratch_operands = 4 : i64, tpu.core_type = #tpu.core_type<sc_vector_subcore>, window_params = [{transform_indices = #map}, {transform_indices = #map}, {transform_indices = #map}, {transform_indices = #map1}, {transform_indices = #map1}]} {
    %mul3A = arith.constant 2 : i32
    %mul3A_0 = arith.muli %arg1, %mul3A : i32
    %add3A = arith.addi %mul3A_0, %arg0 : i32
    %lt3A = arith.constant 16 : i32
    %lt3A_1 = arith.cmpi slt, %add3A, %lt3A : i32
    %convert_element_type3A = arith.extui %lt3A_1 : i1 to i32
    %cond3A = arith.constant 0 : i32
    %cond3A_2 = arith.cmpi ne, %convert_element_type3A, %cond3A : i32
    scf.if %cond3A_2 {
      %mul3A_7 = arith.constant 512 : i32
      %mul3A_8 = arith.muli %add3A, %mul3A_7 : i32
      %jit3A = arith.constant 2048 : i32
      %div3A = arith.divsi %mul3A_8, %jit3A : i32
      %sign3A = arith.constant 0 : i32
      %sign3A_9 = arith.cmpi sgt, %mul3A_8, %sign3A : i32
      %sign3A_10 = arith.extui %sign3A_9 : i1 to i32
      %sign3A_11 = arith.constant 0 : i32
      %sign3A_12 = arith.cmpi slt, %mul3A_8, %sign3A_11 : i32
      %sign3A_13 = arith.extui %sign3A_12 : i1 to i32
      %sign3A_14 = arith.subi %sign3A_10, %sign3A_13 : i32
      %sign3A_15 = arith.constant 0 : i32
      %sign3A_16 = arith.cmpi sgt, %jit3A, %sign3A_15 : i32
      %sign3A_17 = arith.extui %sign3A_16 : i1 to i32
      %sign3A_18 = arith.constant 0 : i32
      %sign3A_19 = arith.cmpi slt, %jit3A, %sign3A_18 : i32
      %sign3A_20 = arith.extui %sign3A_19 : i1 to i32
      %sign3A_21 = arith.subi %sign3A_17, %sign3A_20 : i32
      %ne3A = arith.cmpi ne, %sign3A_14, %sign3A_21 : i32
      %rem3A = arith.remsi %mul3A_8, %jit3A : i32
      %ne3A_22 = arith.constant 0 : i32
      %ne3A_23 = arith.cmpi ne, %rem3A, %ne3A_22 : i32
      %and3A = arith.andi %ne3A, %ne3A_23 : i1
      %sub3A = arith.constant 1 : i32
      %sub3A_24 = arith.subi %div3A, %sub3A : i32
      %select_n3A = arith.select %and3A, %sub3A_24, %div3A : i32
      %mul3A_25 = arith.constant 512 : i32
      %mul3A_26 = arith.muli %add3A, %mul3A_25 : i32
      %jit3A_27 = arith.constant 2048 : i32
      %eq3A = arith.constant 0 : i32
      %eq3A_28 = arith.cmpi eq, %jit3A_27, %eq3A : i32
      %jit3A_29 = arith.constant 1 : i32
      %select_n3A_30 = arith.select %eq3A_28, %jit3A_29, %jit3A_27 : i32
      %rem3A_31 = arith.remsi %mul3A_26, %select_n3A_30 : i32
      %ne3A_32 = arith.constant 0 : i32
      %ne3A_33 = arith.cmpi ne, %rem3A_31, %ne3A_32 : i32
      %lt3A_34 = arith.constant 0 : i32
      %lt3A_35 = arith.cmpi slt, %rem3A_31, %lt3A_34 : i32
      %lt3A_36 = arith.constant 0 : i32
      %lt3A_37 = arith.cmpi slt, %select_n3A_30, %lt3A_36 : i32
      %ne3A_38 = arith.xori %lt3A_35, %lt3A_37 : i1
      %and3A_39 = arith.andi %ne3A_38, %ne3A_33 : i1
      %add3A_40 = arith.addi %rem3A_31, %select_n3A_30 : i32
      %select_n3A_41 = arith.select %and3A_39, %add3A_40, %rem3A_31 : i32
      "tpu.region"() ({
        %run_scoped3A = tpu.sem_alloc : memref<!tpu.dma_semaphore, #tpu.memory_space<semaphore_mem>>
        %dma_start3A_94 = arith.constant 0 : i32
        %dma_start3A_95 = tpu.memref_slice %arg7[%dma_start3A_94] : memref<512xi32, #tpu.memory_space<vmem>> -> memref<32xi32, #tpu.memory_space<vmem>>
        %dma_start3A_96 = tpu.memref_slice %arg2[%select_n3A, %select_n3A_41] : memref<4x2048xi32, #tpu.memory_space<hbm>> -> memref<1x32xi32, #tpu.memory_space<hbm>>
        %dma_start3A_97 = tpu.memref_squeeze %dma_start3A_96 : memref<1x32xi32, #tpu.memory_space<hbm>> -> memref<32xi32, #tpu.memory_space<hbm>>
        %dma_start3A_98 = arith.constant 0 : i32
        %dma_start3A_99 = tpu.memref_slice %arg7[%dma_start3A_98] : memref<512xi32, #tpu.memory_space<vmem>> -> memref<32xi32, #tpu.memory_space<vmem>>
        %dma_start3A_100 = tpu.memref_slice %arg2[%select_n3A, %select_n3A_41] : memref<4x2048xi32, #tpu.memory_space<hbm>> -> memref<1x32xi32, #tpu.memory_space<hbm>>
        %dma_start3A_101 = tpu.memref_squeeze %dma_start3A_100 : memref<1x32xi32, #tpu.memory_space<hbm>> -> memref<32xi32, #tpu.memory_space<hbm>>
        tpu.enqueue_dma source(%dma_start3A_101 : memref<32xi32, #tpu.memory_space<hbm>>) target(%dma_start3A_99 : memref<32xi32, #tpu.memory_space<vmem>>) target_semaphore(%run_scoped3A : memref<!tpu.dma_semaphore, #tpu.memory_space<semaphore_mem>>)
        %dma_wait3A_102 = arith.constant 0 : i32
        %dma_wait3A_103 = tpu.memref_slice %arg7[%dma_wait3A_102] : memref<512xi32, #tpu.memory_space<vmem>> -> memref<32xi32, #tpu.memory_space<vmem>>
        %dma_wait3A_104 = tpu.memref_slice %arg2[%select_n3A, %select_n3A_41] : memref<4x2048xi32, #tpu.memory_space<hbm>> -> memref<1x32xi32, #tpu.memory_space<hbm>>
        %dma_wait3A_105 = tpu.memref_squeeze %dma_wait3A_104 : memref<1x32xi32, #tpu.memory_space<hbm>> -> memref<32xi32, #tpu.memory_space<hbm>>
        %dma_wait3A_106 = arith.constant 0 : i32
        %dma_wait3A_107 = tpu.memref_slice %arg7[%dma_wait3A_106] : memref<512xi32, #tpu.memory_space<vmem>> -> memref<32xi32, #tpu.memory_space<vmem>>
        %dma_wait3A_108 = tpu.memref_slice %arg2[%select_n3A, %select_n3A_41] : memref<4x2048xi32, #tpu.memory_space<hbm>> -> memref<1x32xi32, #tpu.memory_space<hbm>>
        %dma_wait3A_109 = tpu.memref_squeeze %dma_wait3A_108 : memref<1x32xi32, #tpu.memory_space<hbm>> -> memref<32xi32, #tpu.memory_space<hbm>>
        tpu.wait_dma2 semaphore(%run_scoped3A : memref<!tpu.dma_semaphore, #tpu.memory_space<semaphore_mem>>) src(%dma_wait3A_109 : memref<32xi32, #tpu.memory_space<hbm>>) dst(%dma_wait3A_107 : memref<32xi32, #tpu.memory_space<vmem>>)
        tpu.yield
      }) : () -> ()
      %dma_start3A = arith.constant 0 : i32
      %dma_start3A_42 = arith.constant 0 : i32
      %dma_start3A_43 = arith.constant 0 : i32
      %dma_start3A_44 = tpu.memref_slice %arg8[%dma_start3A, %dma_start3A_42, %dma_start3A_43] : memref<4x32x768xf32, #tpu.memory_space<vmem>> -> memref<1x32x768xf32, #tpu.memory_space<vmem>>
      %dma_start3A_45 = tpu.memref_squeeze %dma_start3A_44 : memref<1x32x768xf32, #tpu.memory_space<vmem>> -> memref<32x768xf32, #tpu.memory_space<vmem>>
      %dma_start3A_46 = arith.constant 0 : i32
      %dma_start3A_47 = tpu.memref_slice %arg7[%dma_start3A_46] : memref<512xi32, #tpu.memory_space<vmem>> -> memref<32xi32, #tpu.memory_space<vmem>>
      %dma_start3A_48 = arith.constant 0 : i32
      %dma_start3A_49 = arith.constant 0 : i32
      %dma_start3A_50 = tpu.memref_slice %arg4[%dma_start3A_48, %dma_start3A_49] : memref<100000x768xf32, #tpu.memory_space<hbm>> -> memref<100000x768xf32, #tpu.memory_space<hbm>>
      tpu.enqueue_indirect_dma source(%dma_start3A_50 : memref<100000x768xf32, #tpu.memory_space<hbm>>) target(%dma_start3A_45 : memref<32x768xf32, #tpu.memory_space<vmem>>) offsets(%dma_start3A_47 : memref<32xi32, #tpu.memory_space<vmem>>) semaphore(%arg9 : memref<!tpu.dma_semaphore, #tpu.memory_space<semaphore_mem>>)
      %dma_wait3A = arith.constant 0 : i32
      %dma_wait3A_51 = arith.constant 0 : i32
      %dma_wait3A_52 = arith.constant 0 : i32
      %dma_wait3A_53 = tpu.memref_slice %arg8[%dma_wait3A, %dma_wait3A_51, %dma_wait3A_52] : memref<4x32x768xf32, #tpu.memory_space<vmem>> -> memref<1x32x768xf32, #tpu.memory_space<vmem>>
      %dma_wait3A_54 = tpu.memref_squeeze %dma_wait3A_53 : memref<1x32x768xf32, #tpu.memory_space<vmem>> -> memref<32x768xf32, #tpu.memory_space<vmem>>
      %dma_wait3A_55 = arith.constant 0 : i32
      %dma_wait3A_56 = tpu.memref_slice %arg7[%dma_wait3A_55] : memref<512xi32, #tpu.memory_space<vmem>> -> memref<32xi32, #tpu.memory_space<vmem>>
      %dma_wait3A_57 = arith.constant 0 : i32
      %dma_wait3A_58 = arith.constant 0 : i32
      %dma_wait3A_59 = tpu.memref_slice %arg4[%dma_wait3A_57, %dma_wait3A_58] : memref<100000x768xf32, #tpu.memory_space<hbm>> -> memref<100000x768xf32, #tpu.memory_space<hbm>>
      tpu.wait_indirect_dma semaphore(%arg9 : memref<!tpu.dma_semaphore, #tpu.memory_space<semaphore_mem>>) src(%dma_wait3A_59 : memref<100000x768xf32, #tpu.memory_space<hbm>>) dst(%dma_wait3A_54 : memref<32x768xf32, #tpu.memory_space<vmem>>)
      %add3A_60 = arith.constant 0 : i32
      %add3A_61 = arith.addi %select_n3A_41, %add3A_60 : i32
      %dma_start3A_62 = arith.constant 0 : i32
      %dma_start3A_63 = arith.constant 0 : i32
      %dma_start3A_64 = arith.constant 0 : i32
      %dma_start3A_65 = tpu.memref_slice %arg8[%dma_start3A_62, %dma_start3A_63, %dma_start3A_64] : memref<4x32x768xf32, #tpu.memory_space<vmem>> -> memref<1x32x768xf32, #tpu.memory_space<vmem>>
      %dma_start3A_66 = tpu.memref_squeeze %dma_start3A_65 : memref<1x32x768xf32, #tpu.memory_space<vmem>> -> memref<32x768xf32, #tpu.memory_space<vmem>>
      %dma_start3A_67 = arith.constant 0 : i32
      %dma_start3A_68 = tpu.memref_slice %arg5[%select_n3A, %add3A_61, %dma_start3A_67] : memref<4x2048x768xf32, #tpu.memory_space<hbm>> -> memref<1x32x768xf32, #tpu.memory_space<hbm>>
      %dma_start3A_69 = tpu.memref_squeeze %dma_start3A_68 : memref<1x32x768xf32, #tpu.memory_space<hbm>> -> memref<32x768xf32, #tpu.memory_space<hbm>>
      %dma_start3A_70 = arith.constant 0 : i32
      %dma_start3A_71 = tpu.memref_slice %arg5[%select_n3A, %add3A_61, %dma_start3A_70] : memref<4x2048x768xf32, #tpu.memory_space<hbm>> -> memref<1x32x768xf32, #tpu.memory_space<hbm>>
      %dma_start3A_72 = tpu.memref_squeeze %dma_start3A_71 : memref<1x32x768xf32, #tpu.memory_space<hbm>> -> memref<32x768xf32, #tpu.memory_space<hbm>>
      %dma_start3A_73 = arith.constant 0 : i32
      %dma_start3A_74 = arith.constant 0 : i32
      %dma_start3A_75 = tpu.memref_slice %arg8[%dma_start3A_62, %dma_start3A_73, %dma_start3A_74] : memref<4x32x768xf32, #tpu.memory_space<vmem>> -> memref<1x32x768xf32, #tpu.memory_space<vmem>>
      %dma_start3A_76 = tpu.memref_squeeze %dma_start3A_75 : memref<1x32x768xf32, #tpu.memory_space<vmem>> -> memref<32x768xf32, #tpu.memory_space<vmem>>
      tpu.enqueue_dma source(%dma_start3A_76 : memref<32x768xf32, #tpu.memory_space<vmem>>) target(%dma_start3A_72 : memref<32x768xf32, #tpu.memory_space<hbm>>) target_semaphore(%arg10 : memref<!tpu.dma_semaphore, #tpu.memory_space<semaphore_mem>>)
      %add3A_77 = arith.constant 0 : i32
      %add3A_78 = arith.addi %select_n3A_41, %add3A_77 : i32
      %dma_wait3A_79 = arith.constant 0 : i32
      %dma_wait3A_80 = arith.constant 0 : i32
      %dma_wait3A_81 = arith.constant 0 : i32
      %dma_wait3A_82 = tpu.memref_slice %arg8[%dma_wait3A_79, %dma_wait3A_80, %dma_wait3A_81] : memref<4x32x768xf32, #tpu.memory_space<vmem>> -> memref<1x32x768xf32, #tpu.memory_space<vmem>>
      %dma_wait3A_83 = tpu.memref_squeeze %dma_wait3A_82 : memref<1x32x768xf32, #tpu.memory_space<vmem>> -> memref<32x768xf32, #tpu.memory_space<vmem>>
      %dma_wait3A_84 = arith.constant 0 : i32
      %dma_wait3A_85 = tpu.memref_slice %arg5[%select_n3A, %add3A_78, %dma_wait3A_84] : memref<4x2048x768xf32, #tpu.memory_space<hbm>> -> memref<1x32x768xf32, #tpu.memory_space<hbm>>
      %dma_wait3A_86 = tpu.memref_squeeze %dma_wait3A_85 : memref<1x32x768xf32, #tpu.memory_space<hbm>> -> memref<32x768xf32, #tpu.memory_space<hbm>>
      %dma_wait3A_87 = arith.constant 0 : i32
      %dma_wait3A_88 = tpu.memref_slice %arg5[%select_n3A, %add3A_78, %dma_wait3A_87] : memref<4x2048x768xf32, #tpu.memory_space<hbm>> -> memref<1x32x768xf32, #tpu.memory_space<hbm>>
      %dma_wait3A_89 = tpu.memref_squeeze %dma_wait3A_88 : memref<1x32x768xf32, #tpu.memory_space<hbm>> -> memref<32x768xf32, #tpu.memory_space<hbm>>
      %dma_wait3A_90 = arith.constant 0 : i32
      %dma_wait3A_91 = arith.constant 0 : i32
      %dma_wait3A_92 = tpu.memref_slice %arg8[%dma_wait3A_79, %dma_wait3A_90, %dma_wait3A_91] : memref<4x32x768xf32, #tpu.memory_space<vmem>> -> memref<1x32x768xf32, #tpu.memory_space<vmem>>
      %dma_wait3A_93 = tpu.memref_squeeze %dma_wait3A_92 : memref<1x32x768xf32, #tpu.memory_space<vmem>> -> memref<32x768xf32, #tpu.memory_space<vmem>>
      tpu.wait_dma2 semaphore(%arg10 : memref<!tpu.dma_semaphore, #tpu.memory_space<semaphore_mem>>) src(%dma_wait3A_93 : memref<32x768xf32, #tpu.memory_space<vmem>>) dst(%dma_wait3A_89 : memref<32x768xf32, #tpu.memory_space<hbm>>)
    } else {
    }
    %ge3A = arith.constant 16 : i32
    %ge3A_3 = arith.cmpi sge, %add3A, %ge3A : i32
    %convert_element_type3A_4 = arith.extui %ge3A_3 : i1 to i32
    %cond3A_5 = arith.constant 0 : i32
    %cond3A_6 = arith.cmpi ne, %convert_element_type3A_4, %cond3A_5 : i32
    scf.if %cond3A_6 {
      %sub3A = arith.constant 16 : i32
      %sub3A_7 = arith.subi %add3A, %sub3A : i32
      %mul3A_8 = arith.constant 512 : i32
      %mul3A_9 = arith.muli %sub3A_7, %mul3A_8 : i32
      %jit3A = arith.constant 2048 : i32
      %div3A = arith.divsi %mul3A_9, %jit3A : i32
      %sign3A = arith.constant 0 : i32
      %sign3A_10 = arith.cmpi sgt, %mul3A_9, %sign3A : i32
      %sign3A_11 = arith.extui %sign3A_10 : i1 to i32
      %sign3A_12 = arith.constant 0 : i32
      %sign3A_13 = arith.cmpi slt, %mul3A_9, %sign3A_12 : i32
      %sign3A_14 = arith.extui %sign3A_13 : i1 to i32
      %sign3A_15 = arith.subi %sign3A_11, %sign3A_14 : i32
      %sign3A_16 = arith.constant 0 : i32
      %sign3A_17 = arith.cmpi sgt, %jit3A, %sign3A_16 : i32
      %sign3A_18 = arith.extui %sign3A_17 : i1 to i32
      %sign3A_19 = arith.constant 0 : i32
      %sign3A_20 = arith.cmpi slt, %jit3A, %sign3A_19 : i32
      %sign3A_21 = arith.extui %sign3A_20 : i1 to i32
      %sign3A_22 = arith.subi %sign3A_18, %sign3A_21 : i32
      %ne3A = arith.cmpi ne, %sign3A_15, %sign3A_22 : i32
      %rem3A = arith.remsi %mul3A_9, %jit3A : i32
      %ne3A_23 = arith.constant 0 : i32
      %ne3A_24 = arith.cmpi ne, %rem3A, %ne3A_23 : i32
      %and3A = arith.andi %ne3A, %ne3A_24 : i1
      %sub3A_25 = arith.constant 1 : i32
      %sub3A_26 = arith.subi %div3A, %sub3A_25 : i32
      %select_n3A = arith.select %and3A, %sub3A_26, %div3A : i32
      %mul3A_27 = arith.constant 512 : i32
      %mul3A_28 = arith.muli %sub3A_7, %mul3A_27 : i32
      %jit3A_29 = arith.constant 2048 : i32
      %eq3A = arith.constant 0 : i32
      %eq3A_30 = arith.cmpi eq, %jit3A_29, %eq3A : i32
      %jit3A_31 = arith.constant 1 : i32
      %select_n3A_32 = arith.select %eq3A_30, %jit3A_31, %jit3A_29 : i32
      %rem3A_33 = arith.remsi %mul3A_28, %select_n3A_32 : i32
      %ne3A_34 = arith.constant 0 : i32
      %ne3A_35 = arith.cmpi ne, %rem3A_33, %ne3A_34 : i32
      %lt3A_36 = arith.constant 0 : i32
      %lt3A_37 = arith.cmpi slt, %rem3A_33, %lt3A_36 : i32
      %lt3A_38 = arith.constant 0 : i32
      %lt3A_39 = arith.cmpi slt, %select_n3A_32, %lt3A_38 : i32
      %ne3A_40 = arith.xori %lt3A_37, %lt3A_39 : i1
      %and3A_41 = arith.andi %ne3A_40, %ne3A_35 : i1
      %add3A_42 = arith.addi %rem3A_33, %select_n3A_32 : i32
      %select_n3A_43 = arith.select %and3A_41, %add3A_42, %rem3A_33 : i32
      "tpu.region"() ({
        %run_scoped3A = tpu.sem_alloc : memref<!tpu.dma_semaphore, #tpu.memory_space<semaphore_mem>>
        %dma_start3A_96 = arith.constant 0 : i32
        %dma_start3A_97 = tpu.memref_slice %arg7[%dma_start3A_96] : memref<512xi32, #tpu.memory_space<vmem>> -> memref<32xi32, #tpu.memory_space<vmem>>
        %dma_start3A_98 = tpu.memref_slice %arg3[%select_n3A, %select_n3A_43] : memref<4x2048xi32, #tpu.memory_space<hbm>> -> memref<1x32xi32, #tpu.memory_space<hbm>>
        %dma_start3A_99 = tpu.memref_squeeze %dma_start3A_98 : memref<1x32xi32, #tpu.memory_space<hbm>> -> memref<32xi32, #tpu.memory_space<hbm>>
        %dma_start3A_100 = arith.constant 0 : i32
        %dma_start3A_101 = tpu.memref_slice %arg7[%dma_start3A_100] : memref<512xi32, #tpu.memory_space<vmem>> -> memref<32xi32, #tpu.memory_space<vmem>>
        %dma_start3A_102 = tpu.memref_slice %arg3[%select_n3A, %select_n3A_43] : memref<4x2048xi32, #tpu.memory_space<hbm>> -> memref<1x32xi32, #tpu.memory_space<hbm>>
        %dma_start3A_103 = tpu.memref_squeeze %dma_start3A_102 : memref<1x32xi32, #tpu.memory_space<hbm>> -> memref<32xi32, #tpu.memory_space<hbm>>
        tpu.enqueue_dma source(%dma_start3A_103 : memref<32xi32, #tpu.memory_space<hbm>>) target(%dma_start3A_101 : memref<32xi32, #tpu.memory_space<vmem>>) target_semaphore(%run_scoped3A : memref<!tpu.dma_semaphore, #tpu.memory_space<semaphore_mem>>)
        %dma_wait3A_104 = arith.constant 0 : i32
        %dma_wait3A_105 = tpu.memref_slice %arg7[%dma_wait3A_104] : memref<512xi32, #tpu.memory_space<vmem>> -> memref<32xi32, #tpu.memory_space<vmem>>
        %dma_wait3A_106 = tpu.memref_slice %arg3[%select_n3A, %select_n3A_43] : memref<4x2048xi32, #tpu.memory_space<hbm>> -> memref<1x32xi32, #tpu.memory_space<hbm>>
        %dma_wait3A_107 = tpu.memref_squeeze %dma_wait3A_106 : memref<1x32xi32, #tpu.memory_space<hbm>> -> memref<32xi32, #tpu.memory_space<hbm>>
        %dma_wait3A_108 = arith.constant 0 : i32
        %dma_wait3A_109 = tpu.memref_slice %arg7[%dma_wait3A_108] : memref<512xi32, #tpu.memory_space<vmem>> -> memref<32xi32, #tpu.memory_space<vmem>>
        %dma_wait3A_110 = tpu.memref_slice %arg3[%select_n3A, %select_n3A_43] : memref<4x2048xi32, #tpu.memory_space<hbm>> -> memref<1x32xi32, #tpu.memory_space<hbm>>
        %dma_wait3A_111 = tpu.memref_squeeze %dma_wait3A_110 : memref<1x32xi32, #tpu.memory_space<hbm>> -> memref<32xi32, #tpu.memory_space<hbm>>
        tpu.wait_dma2 semaphore(%run_scoped3A : memref<!tpu.dma_semaphore, #tpu.memory_space<semaphore_mem>>) src(%dma_wait3A_111 : memref<32xi32, #tpu.memory_space<hbm>>) dst(%dma_wait3A_109 : memref<32xi32, #tpu.memory_space<vmem>>)
        tpu.yield
      }) : () -> ()
      %dma_start3A = arith.constant 0 : i32
      %dma_start3A_44 = arith.constant 0 : i32
      %dma_start3A_45 = arith.constant 0 : i32
      %dma_start3A_46 = tpu.memref_slice %arg8[%dma_start3A, %dma_start3A_44, %dma_start3A_45] : memref<4x32x768xf32, #tpu.memory_space<vmem>> -> memref<1x32x768xf32, #tpu.memory_space<vmem>>
      %dma_start3A_47 = tpu.memref_squeeze %dma_start3A_46 : memref<1x32x768xf32, #tpu.memory_space<vmem>> -> memref<32x768xf32, #tpu.memory_space<vmem>>
      %dma_start3A_48 = arith.constant 0 : i32
      %dma_start3A_49 = tpu.memref_slice %arg7[%dma_start3A_48] : memref<512xi32, #tpu.memory_space<vmem>> -> memref<32xi32, #tpu.memory_space<vmem>>
      %dma_start3A_50 = arith.constant 0 : i32
      %dma_start3A_51 = arith.constant 0 : i32
      %dma_start3A_52 = tpu.memref_slice %arg4[%dma_start3A_50, %dma_start3A_51] : memref<100000x768xf32, #tpu.memory_space<hbm>> -> memref<100000x768xf32, #tpu.memory_space<hbm>>
      tpu.enqueue_indirect_dma source(%dma_start3A_52 : memref<100000x768xf32, #tpu.memory_space<hbm>>) target(%dma_start3A_47 : memref<32x768xf32, #tpu.memory_space<vmem>>) offsets(%dma_start3A_49 : memref<32xi32, #tpu.memory_space<vmem>>) semaphore(%arg9 : memref<!tpu.dma_semaphore, #tpu.memory_space<semaphore_mem>>)
      %dma_wait3A = arith.constant 0 : i32
      %dma_wait3A_53 = arith.constant 0 : i32
      %dma_wait3A_54 = arith.constant 0 : i32
      %dma_wait3A_55 = tpu.memref_slice %arg8[%dma_wait3A, %dma_wait3A_53, %dma_wait3A_54] : memref<4x32x768xf32, #tpu.memory_space<vmem>> -> memref<1x32x768xf32, #tpu.memory_space<vmem>>
      %dma_wait3A_56 = tpu.memref_squeeze %dma_wait3A_55 : memref<1x32x768xf32, #tpu.memory_space<vmem>> -> memref<32x768xf32, #tpu.memory_space<vmem>>
      %dma_wait3A_57 = arith.constant 0 : i32
      %dma_wait3A_58 = tpu.memref_slice %arg7[%dma_wait3A_57] : memref<512xi32, #tpu.memory_space<vmem>> -> memref<32xi32, #tpu.memory_space<vmem>>
      %dma_wait3A_59 = arith.constant 0 : i32
      %dma_wait3A_60 = arith.constant 0 : i32
      %dma_wait3A_61 = tpu.memref_slice %arg4[%dma_wait3A_59, %dma_wait3A_60] : memref<100000x768xf32, #tpu.memory_space<hbm>> -> memref<100000x768xf32, #tpu.memory_space<hbm>>
      tpu.wait_indirect_dma semaphore(%arg9 : memref<!tpu.dma_semaphore, #tpu.memory_space<semaphore_mem>>) src(%dma_wait3A_61 : memref<100000x768xf32, #tpu.memory_space<hbm>>) dst(%dma_wait3A_56 : memref<32x768xf32, #tpu.memory_space<vmem>>)
      %add3A_62 = arith.constant 0 : i32
      %add3A_63 = arith.addi %select_n3A_43, %add3A_62 : i32
      %dma_start3A_64 = arith.constant 0 : i32
      %dma_start3A_65 = arith.constant 0 : i32
      %dma_start3A_66 = arith.constant 0 : i32
      %dma_start3A_67 = tpu.memref_slice %arg8[%dma_start3A_64, %dma_start3A_65, %dma_start3A_66] : memref<4x32x768xf32, #tpu.memory_space<vmem>> -> memref<1x32x768xf32, #tpu.memory_space<vmem>>
      %dma_start3A_68 = tpu.memref_squeeze %dma_start3A_67 : memref<1x32x768xf32, #tpu.memory_space<vmem>> -> memref<32x768xf32, #tpu.memory_space<vmem>>
      %dma_start3A_69 = arith.constant 0 : i32
      %dma_start3A_70 = tpu.memref_slice %arg6[%select_n3A, %add3A_63, %dma_start3A_69] : memref<4x2048x768xf32, #tpu.memory_space<hbm>> -> memref<1x32x768xf32, #tpu.memory_space<hbm>>
      %dma_start3A_71 = tpu.memref_squeeze %dma_start3A_70 : memref<1x32x768xf32, #tpu.memory_space<hbm>> -> memref<32x768xf32, #tpu.memory_space<hbm>>
      %dma_start3A_72 = arith.constant 0 : i32
      %dma_start3A_73 = tpu.memref_slice %arg6[%select_n3A, %add3A_63, %dma_start3A_72] : memref<4x2048x768xf32, #tpu.memory_space<hbm>> -> memref<1x32x768xf32, #tpu.memory_space<hbm>>
      %dma_start3A_74 = tpu.memref_squeeze %dma_start3A_73 : memref<1x32x768xf32, #tpu.memory_space<hbm>> -> memref<32x768xf32, #tpu.memory_space<hbm>>
      %dma_start3A_75 = arith.constant 0 : i32
      %dma_start3A_76 = arith.constant 0 : i32
      %dma_start3A_77 = tpu.memref_slice %arg8[%dma_start3A_64, %dma_start3A_75, %dma_start3A_76] : memref<4x32x768xf32, #tpu.memory_space<vmem>> -> memref<1x32x768xf32, #tpu.memory_space<vmem>>
      %dma_start3A_78 = tpu.memref_squeeze %dma_start3A_77 : memref<1x32x768xf32, #tpu.memory_space<vmem>> -> memref<32x768xf32, #tpu.memory_space<vmem>>
      tpu.enqueue_dma source(%dma_start3A_78 : memref<32x768xf32, #tpu.memory_space<vmem>>) target(%dma_start3A_74 : memref<32x768xf32, #tpu.memory_space<hbm>>) target_semaphore(%arg10 : memref<!tpu.dma_semaphore, #tpu.memory_space<semaphore_mem>>)
      %add3A_79 = arith.constant 0 : i32
      %add3A_80 = arith.addi %select_n3A_43, %add3A_79 : i32
      %dma_wait3A_81 = arith.constant 0 : i32
      %dma_wait3A_82 = arith.constant 0 : i32
      %dma_wait3A_83 = arith.constant 0 : i32
      %dma_wait3A_84 = tpu.memref_slice %arg8[%dma_wait3A_81, %dma_wait3A_82, %dma_wait3A_83] : memref<4x32x768xf32, #tpu.memory_space<vmem>> -> memref<1x32x768xf32, #tpu.memory_space<vmem>>
      %dma_wait3A_85 = tpu.memref_squeeze %dma_wait3A_84 : memref<1x32x768xf32, #tpu.memory_space<vmem>> -> memref<32x768xf32, #tpu.memory_space<vmem>>
      %dma_wait3A_86 = arith.constant 0 : i32
      %dma_wait3A_87 = tpu.memref_slice %arg6[%select_n3A, %add3A_80, %dma_wait3A_86] : memref<4x2048x768xf32, #tpu.memory_space<hbm>> -> memref<1x32x768xf32, #tpu.memory_space<hbm>>
      %dma_wait3A_88 = tpu.memref_squeeze %dma_wait3A_87 : memref<1x32x768xf32, #tpu.memory_space<hbm>> -> memref<32x768xf32, #tpu.memory_space<hbm>>
      %dma_wait3A_89 = arith.constant 0 : i32
      %dma_wait3A_90 = tpu.memref_slice %arg6[%select_n3A, %add3A_80, %dma_wait3A_89] : memref<4x2048x768xf32, #tpu.memory_space<hbm>> -> memref<1x32x768xf32, #tpu.memory_space<hbm>>
      %dma_wait3A_91 = tpu.memref_squeeze %dma_wait3A_90 : memref<1x32x768xf32, #tpu.memory_space<hbm>> -> memref<32x768xf32, #tpu.memory_space<hbm>>
      %dma_wait3A_92 = arith.constant 0 : i32
      %dma_wait3A_93 = arith.constant 0 : i32
      %dma_wait3A_94 = tpu.memref_slice %arg8[%dma_wait3A_81, %dma_wait3A_92, %dma_wait3A_93] : memref<4x32x768xf32, #tpu.memory_space<vmem>> -> memref<1x32x768xf32, #tpu.memory_space<vmem>>
      %dma_wait3A_95 = tpu.memref_squeeze %dma_wait3A_94 : memref<1x32x768xf32, #tpu.memory_space<vmem>> -> memref<32x768xf32, #tpu.memory_space<vmem>>
      tpu.wait_dma2 semaphore(%arg10 : memref<!tpu.dma_semaphore, #tpu.memory_space<semaphore_mem>>) src(%dma_wait3A_95 : memref<32x768xf32, #tpu.memory_space<vmem>>) dst(%dma_wait3A_91 : memref<32x768xf32, #tpu.memory_space<hbm>>)
    } else {
    }
    return
  }
}

</mosaic_0001>

<sc_bundles>
// kernel: kernel.3.cloned.1.call-start
scs
__scs_entry_jumppad:
0x0: {  	(pc) =	sbr.rel $0x88, $3  }
0x1: {  	(tag) =	ssettag $0x0;
	lr =	simm.s32 $0x1  }
0x2: {  	[smem:$0x3F9E] =	sst lr;
	_ =	strace $0xD0000000  }
0x3: {  	_ = 	snop  }
0x4: {  	_ = 	snop  }
0x5: {  	_ = 	snop  }
0x6: {  	_ = 	snop  }
0x7: {  	_ = 	snop  }
__scs_overlays_trampoline_lowered:
0x8: {  	[smem:$0x3FAD] =	sst s0  }
0x9: {  	[smem:$0x3FAE] =	sst s1  }
0xa: {  	[smem:$0x3FAF] =	sst s2  }
0xb: {  	[smem:$0x3FB0] =	sst s3  }
0xc: {  	[smem:$0x3FB1] =	sst s4  }
0xd: {  	[smem:$0x3FB2] =	sst s5  }
0xe: {  	[smem:$0x3FB3] =	sst s6  }
0xf: {  	[smem:$0x3FB4] =	sst s7  }
0x10: {  	[smem:$0x3FB5] =	sst s8  }
0x11: {  	[smem:$0x3FB6] =	sst s9;
	s0 =	simm.s32 @!p0 $0x0  }
0x12: {  	s1 =	sld [smem:$0x3F9C];
	s0 =	simm.s32 @p0 $0x1  }
0x13: {  	[smem:$0x3FB7] =	sst s0;
	s0 =	simm.s32 @!p1 $0x0  }
0x14: {  	s2 =	sld [smem:$0x3F9B];
	s0 =	simm.s32 @p1 $0x1  }
0x15: {  	[smem:$0x3FB8] =	sst s0;
	s0 =	simm.s32 @!p2 $0x0  }
0x16: {  	s3 =	sld [smem:$0x3FDB];
	s0 =	simm.s32 @p2 $0x1  }
0x17: {  	s4 =	simm.s32 $0x1BF5;
	[smem:$0x3FBA] =	sst s0  }
0x18: {  	s0 =	sld [smem:$0x3F9D];
	_ =	swait.ge [sflag:s4], $0x0  }
0x19: {  	s7 =	sld [smem:$0x3F9E]  }
0x1a: {  	s8 =	sadd.s32 $0xFFFFE003, lr  }
0x1b: {  	s9 =	sadd.s32 $0xFFFFFEF7, lr;
	s5 =	simm.s32 $0xFFFFFFFF;
	p2 =	slt.u32 s8, $0xFFFFF086  }
0x1c: {  	p1 =	slt.u32 s9, $0xF7A;
	s5 =	simm.s32 @!p2 $0x0  }
0x1d: {  	s5 =	simm.s32 @p1 $0x1;
	p0 =	seq.s32 s7, s2  }
0x1e: {  	s7 =	smul.u32 @!p0 $0xF7A, s2;
	p2 =	seq.s32 @!p0 s5, $0x0  }
0x1f: {  	s9 =	smul.u32 $0xF7A, s1;
	s8 =	simm.s32 @!p0 $0x1BF5;
	p2 =	por !p2, p0  }
0x20: {  	[sflag:s8] =	ssyncset.s32 @!p0 $0xFFFFF086;
	s6 =	sadd.s32 @!p0 s3, s7;
	s7 =	simm.s32 @!p0 $0x108  }
0x21: {  	s3 =	sadd.s32 s3, s9;
	s6 =	sadd.s32 @!p0 $0x88, s6;
	s7 =	simm.s32 @p2 $0x1082  }
0x22: {  	[simem:s7], [sflag:s8] =	dma.local @!p0 [hbm:s6], $0xF7A  }
0x23: {  	s9 =	sor.u32 $0xD0000000, s2;
	s6 =	simm.s32 $0x108;
	_ =	swait.ge @!p0 [sflag:s8], $0x0  }
0x24: {  	s3 =	sadd.s32 $0x88, s3;
	s6 =	simm.s32 @!p1 $0x1082;
	[sflag:s4] =	ssyncset.s32 $0xFFFFF086  }
0x25: {  	[simem:s6], [sflag:s4] =	dma.local [hbm:s3], $0xF7A  }
0x26: {  	[smem:$0x3F9E] =	sst s1;
	(tag) =	ssettag s2;
	_ =	strace s9  }
0x27: {  	s1 =	sld [smem:$0x3FAE]  }
0x28: {  	s2 =	sld [smem:$0x3FAF]  }
0x29: {  	s4 =	sld [smem:$0x3FB1]  }
0x2a: {  	p0 =	seq.s32 s5, $0x0;
	s5 =	sld [smem:$0x3FB2]  }
0x2b: {  	s6 =	sld [smem:$0x3FB3]  }
0x2c: {  	s7 =	sld [smem:$0x3FB4]  }
0x2d: {  	s3 =	simm.s32 $0x108;
	s8 =	sld [smem:$0x3FB5]  }
0x2e: {  	s3 =	simm.s32 @!p0 $0x1082;
	s9 =	sld [smem:$0x3FB6]  }
0x2f: {  	lr =	sadd.s32 s0, s3;
	s0 =	sld [smem:$0x3FAD]  }
0x30: {  	s3 =	sld [smem:$0x3FB0]  }
0x31: {  	[smem:$0x3FB9] =	sst s10  }
0x32: {  	s10 =	sld [smem:$0x3FB7];
	_ =	sdelay $0x3  }
0x33: {  	p0 =	seq.s32 s10, $0x1;
	s10 =	sld [smem:$0x3FB9];
	_ =	sdelay $0x3  }
0x34: {  	[smem:$0x3FB9] =	sst s10  }
0x35: {  	s10 =	sld [smem:$0x3FB8];
	_ =	sdelay $0x3  }
0x36: {  	p1 =	seq.s32 s10, $0x1;
	s10 =	sld [smem:$0x3FB9];
	_ =	sdelay $0x3  }
0x37: {  	[smem:$0x3FB9] =	sst s10  }
0x38: {  	s10 =	sld [smem:$0x3FBA]  }
0x39: {  	_ = 	snop;
	(pc) =	sbr.ind lr, $3  }
0x3a: {  	_ = 	snop  }
0x3b: {  	_ = 	snop  }
0x3c: {  	p2 =	seq.s32 s10, $0x1;
	s10 =	sld [smem:$0x3FB9]  }
0x3d: {  	_ =	shalt  }
0x3e: {  	_ =	shalt  }
0x3f: {  	_ =	shalt  }
0x40: {  	_ =	shalt  }
0x41: {  	_ =	shalt  }
0x42: {  	_ =	shalt  }
0x43: {  	_ =	shalt  }
0x44: {  	_ =	shalt  }
0x45: {  	_ =	shalt  }
0x46: {  	_ =	shalt  }
0x47: {  	_ =	shalt  }
0x48: {  	_ =	shalt  }
0x49: {  	_ =	shalt  }
0x4a: {  	_ =	shalt  }
0x4b: {  	_ =	shalt  }
0x4c: {  	_ =	shalt  }
0x4d: {  	_ =	shalt  }
0x4e: {  	_ =	shalt  }
0x4f: {  	_ =	shalt  }
0x50: {  	_ =	shalt  }
0x51: {  	_ =	shalt  }
0x52: {  	_ =	shalt  }
0x53: {  	_ =	shalt  }
0x54: {  	_ =	shalt  }
0x55: {  	_ =	shalt  }
0x56: {  	_ =	shalt  }
0x57: {  	_ =	shalt  }
0x58: {  	_ =	shalt  }
0x59: {  	_ =	shalt  }
0x5a: {  	_ =	shalt  }
0x5b: {  	_ =	shalt  }
0x5c: {  	_ =	shalt  }
0x5d: {  	_ =	shalt  }
0x5e: {  	_ =	shalt  }
0x5f: {  	_ =	shalt  }
0x60: {  	_ =	shalt  }
0x61: {  	_ =	shalt  }
0x62: {  	_ =	shalt  }
0x63: {  	_ =	shalt  }
0x64: {  	_ =	shalt  }
0x65: {  	_ =	shalt  }
0x66: {  	_ =	shalt  }
0x67: {  	_ =	shalt  }
0x68: {  	_ =	shalt  }
0x69: {  	_ =	shalt  }
0x6a: {  	_ =	shalt  }
0x6b: {  	_ =	shalt  }
0x6c: {  	_ =	shalt  }
0x6d: {  	_ =	shalt  }
0x6e: {  	_ =	shalt  }
0x6f: {  	_ =	shalt  }
0x70: {  	_ =	shalt  }
0x71: {  	_ =	shalt  }
0x72: {  	_ =	shalt  }
0x73: {  	_ =	shalt  }
0x74: {  	_ =	shalt  }
0x75: {  	_ =	shalt  }
0x76: {  	_ =	shalt  }
0x77: {  	_ =	shalt  }
0x78: {  	_ =	shalt  }
0x79: {  	_ =	shalt  }
0x7a: {  	_ =	shalt  }
0x7b: {  	_ =	shalt  }
0x7c: {  	_ =	shalt  }
0x7d: {  	_ =	shalt  }
0x7e: {  	_ =	shalt  }
0x7f: {  	_ =	shalt  }
0x80: {  	_ =	shalt  }
0x81: {  	_ =	shalt  }
0x82: {  	_ =	shalt  }
0x83: {  	_ =	shalt  }
0x84: {  	_ =	shalt  }
0x85: {  	_ =	shalt  }
0x86: {  	_ =	shalt  }
0x87: {  	_ =	shalt  }
.Lfunc_end0:
.L_simem_size_0:
called_computation_lowered:
.L_overlay_start_0:
0x88: {  	s2 =	sld [smem:$0x3FD9]  }
0x89: {  	s3 =	sld [smem:$0x3FFE];
	_ =	sdelay $0x1  }
0x8a: {  	s1 =	srdreg.scid  }
0x8b: {  	s0 =	sand.u32 $0x1, s1  }
0x8c: {  	s15 =	sshll.u32 s0, $0xA;
	s2 =	sadd.s32 s3, s2  }
0x8d: {  	s2 =	sadd.s32 s2, s15  }
0x8e: {  	[smem:$0x3FC5] =	sst s2  }
0x8f: {  	_ = 	snop  }
0x90: {  	s2 =	sld [smem:$0x3FD0]  }
0x91: {  	s16 =	sld [smem:$0x3FC9]  }
0x92: {  	s4 =	sld [smem:$0x3FC8]  }
0x93: {  	s6 =	simm.s32 $0xA;
	s7 =	simm.s32 $0x10;
	s5 =	sld [smem:$0x3FC7]  }
0x94: {  	[smem:s7], [sflag:s6] =	dma.local [hbm:s2], $0x1  }
0x95: {  	_ =	swait.eq [sflag:s6], $0x1  }
0x96: {  	[sflag:s6] =	ssyncset.done $0x0  }
0x97: {  	s17 =	sld [smem:$0x10];
	[sflag:s6] =	ssyncadd.s32 $0xFFFFFFFF  }
0x98: {  	s18 =	sld [smem:$0x11];
	(tm) =	ssettm $0x1  }
0x99: {  	s19 =	sld [smem:$0x3FFB];
	_ =	sdelay $0x3  }
0x9a: {  	_ =	strace s19  }
0x9b: {  	s7 =	sld [smem:$0x3FFC];
	_ =	sdelay $0x3  }
0x9c: {  	_ =	strace s7  }
0x9d: {  	s7 =	sld [smem:$0x3FFD];
	_ =	sdelay $0x3  }
0x9e: {  	_ =	strace s7  }
0x9f: {  	_ =	strace $0x8FFFFFFF  }
0xa0: {  	s20 =	sld [smem:$0x3FDB];
	_ =	sdelay $0x1  }
0xa1: {  	s8 =	simm.s32 $_scs_section_size  }
0xa2: {  	s9 =	simm.s32 $_size__tile_overlayer_lowered;
	s10 =	simm.s32 $_tile_overlayer_lowered  }
0xa3: {  	s23 =	simm.s32 $0x1BFF;
	s22 =	sshll.u32 s10, $0x1;
	s7 =	sadd.s32 s8, s20  }
0xa4: {  	s11 =	simm.s32 $0x0;
	s21 =	sshll.u32 s9, $0x1;
	s9 =	sadd.s32 s22, s7  }
0xa5: {  	[timem:s11], [sflag:s23] =	dma.local [hbm:s9], s21  }
0xa6: {  	_ =	swait.ge [sflag:s23], s21  }
0xa7: {  	s8 =	ssub.s32 $0x0, s21;
	[sflag:s23] =	ssyncset.done $0x0  }
0xa8: {  	[sflag:s23] =	ssyncadd.s32 s8;
	_ =	sdelay $0x1  }
0xa9: {  	s24 =	simm.s32 $0x1B8B  }
0xaa: {  	_ =	swait.ge [sflag:s24], $0x1  }
0xab: {  	[sflag:s24] =	ssyncset.done $0x0  }
0xac: {  	s25 =	simm.s32 $0x1B8E;
	[sflag:s24] =	ssyncadd.s32 $0xFFFFFFFF  }
0xad: {  	s26 =	simm.s32 $execute0_lowered;
	[smem:$0x3FD2] =	sst s25  }
0xae: {  	s8 =	sshll.u32 s26, $0x1;
	_ =	strace $0x80000046;
	[dreg:$0x1] =	wrdreg $0xFFFFFFFF  }
0xaf: {  	s28 =	simm.s32 $_size_execute0_lowered;
	s7 =	sadd.s32 s7, s8;
	[dreg:$0x0] =	wrdreg $0x0  }
0xb0: {  	s8 =	sshll.u32 s28, $0x1;
	[dreg:$0x2] =	wrdreg s7  }
0xb1: {  	[dreg:$0x3] =	wrdreg s8  }
0xb2: {  	[dreg:$0x4] =	wrdreg $0xC0  }
0xb3: {  	_ =	task [dreg:s11], $0x5FFFF  }
0xb4: {  	[dreg:$0x1] =	wrdreg $0xFFFFFFFF  }
0xb5: {  	[dreg:$0x0] =	wrdreg $0x60  }
0xb6: {  	[dreg:$0x2] =	wrdreg s16  }
0xb7: {  	[dreg:$0x3] =	wrdreg s4  }
0xb8: {  	[dreg:$0x4] =	wrdreg s5  }
0xb9: {  	[dreg:$0x5] =	wrdreg s17  }
0xba: {  	[dreg:$0x6] =	wrdreg s18  }
0xbb: {  	[dreg:$0x7] =	wrdreg $0x9  }
0xbc: {  	_ =	task.clear_ibuf [dreg:s11], $0x8FFFF;
	_ =	strace $0x90000046  }
0xbd: {  	s29 =	simm.s32 $0x9;
	_ =	strace $0x80000048  }
0xbe: {  	_ =	swait.ge [sflag:s29], $0x1  }
0xbf: {  	[sflag:s29] =	ssyncadd.s32 $0xFFFFFFFF  }
0xc0: {  	_ =	strace $0x90000048  }
0xc1: {  	_ =	sfence  }
0xc2: {  	s30 =	sld [smem:$0x0];
	_ =	sdelay $0x2  }
0xc3: {  	s31 =	sshll.u32 s1, $0xD;
	s1 =	sshrl.u32 s1, $0x2  }
0xc4: {  	s3 =	sand.u32 $0x4000, s31;
	s1 =	sadd.s32 s1, s30  }
0xc5: {  	s0 =	sor.u32 s3, s0;
	s1 =	sshll.u32 s1, $0x11  }
0xc6: {  	s0 =	sor.u32 s1, s0  }
0xc7: {  	s0 =	sadd.s32 $0x8F2B, s0  }
0xc8: {  	[sflag:s0] =	ssyncadd.remote.s32 $0x1  }
0xc9: {  	_ =	sfence.sel $0xFFFF  }
0xca: {  	[dreg:$0x0] =	wrdreg $0xFFFFFFFF;
	(pc) =	sbr.abs _section_cstart, $3  }
0xcb: {  	[dreg:$0x1] =	wrdreg $0xFFFFFFFF  }
0xcc: {  	_ =	task.clear_ibuf [dreg:s11], $0x2FFFF;
	_ =	strace $0x9FFFFFFF  }
0xcd: {  	(tm) =	ssettm $0x7FFFFFFF  }
tec
execute0_lowered:
.L_overlay_start_1:
0x0: {  	(tag) =	ssettag $0x1  }
0x1: {  	s8 =	rddreg [dreg:$0x0]  }
0x2: {  	s4 =	rddreg [dreg:$0x1]  }
0x3: {  	s2 =	rddreg [dreg:$0x2]  }
0x4: {  	s9 =	rddreg [dreg:$0x3];
	s0 =	srdreg.scid  }
0x5: {  	s7 =	rddreg [dreg:$0x4];
	s1 =	stileid.u32;
	s3 =	simm.s32 $0x0  }
0x6: {  	s16 =	simm.s32 $0x3200;
	s17 =	simm.s32 $0x3A00;
	s18 =	simm.s32 $0x4200  }
0x7: {  	s19 =	simm.s32 $0x4A00;
	s20 =	simm.s32 $0x5200;
	s21 =	simm.s32 $0x5A00  }
0x8: {  	s22 =	simm.s32 $0x1;
	s5 =	sand.u32 $0x1, s0;
	s0 =	rddreg [dreg:$0x5]  }
0x9: {  	s23 =	simm.s32 $0x2;
	s6 =	sshll.u32 s1, $0xA;
	[smem:$0x7FF] =	sst s3  }
0xa: {  	s14 =	sshrl.u32 s1, $0x1;
	p0 =	slt.u32 s1, $0x8;
	s10 =	sshll.u32 s5, $0x9  }
0xb: {  	s5 =	ssub.s32 $0x2, s5;
	_ =	strace $0x80000047;
	s6 =	sor.u32 s10, s6  }
0xc: {  	s29 =	sshrl.u32 s5, $0x1;
	s11 =	sadd.s32 $0xFFFFE000, s6;
	s6 =	sand.u32 $0x600, s6  }
0xd: {  	s30 =	sshrl.u32 s11, $0x4;
	s12 =	sand.u32 $0xFFFFE000, s11;
	s11 =	sshrl.u32 s11, $0xB  }
0xe: {  	s13 =	sshll.u32 s6, $0x2;
	s6 =	sshrl.u32 s6, $0x3;
	s11 =	smul.u32 $0x180000, s11  }
0xf: {  	s10 =	ssub.s32 s5, s29;
	s5 =	sand.u32 $0x180, s30;
	s31 =	smul.u32 $0x1800, s6  }
0x10: {  	s15 =	smul.u32 $0x180000, s14;
	s14 =	sshll.u32 s14, $0x7;
	s5 =	sor.u32 s5, s12  }
0x11: {  	s6 =	sadd.s32 $0x200, s2;
	s5 =	sor.u32 s13, s5;
	s11 =	sadd.s32 s31, s11  }
0x12: {  	s13 =	sor.u32 s14, s13;
	s12 =	sadd.s32 s15, s31;
	s14 =	simm.s32 $0x2200  }
0x13: {  	s15 =	simm.s32 $0x2A00;
	s5 =	sshrl.u32 s5, $0x3;
	s11 =	sshrl.u32 s11, $0x3  }
0x14: {  	s13 =	sshrl.u32 s13, $0x3;
	s12 =	sshrl.u32 s12, $0x3;
	s4 =	sadd.s32 s4, s5  }
0x15: {  	s5 =	sadd.s32 $0x100, s2;
	s7 =	sadd.s32 s7, s11;
	s11 =	sadd.s32 s8, s13  }
0x16: {  	v2 =	vlaneseq.u32;
	s9 =	sadd.s32 s9, s12;
	s8 =	smax.u32 s10, $0x1;
	s10 =	simm.s32 $0x200  }
0x17: {  	vm0 =	vmmov $0xffff;
	v1 =	vshrl.u32 v2, $0x3;
	s12 =	simm.s32 $0x1200;
	s13 =	simm.s32 $0x1A00;
	s4 =	smov.u32 @p0 s11  }
0x18: {  	v0 =	vand.u32 $0x7, v2;
	v2 =	vor.u32 $0x8, v2;
	v1 =	vmul.u32 $0x8, v1;
	s7 =	smov.u32 @p0 s9;
	s9 =	simm.s32 $0x3;
	s11 =	simm.s32 $0xA00  }
.LBB2_1:
0x19: {  	[tilespmem:s3], [sflag:$0x3] =	stream.linear.gather [hbm4b:s4+s3], $0x20, $0x38;
	[tilespmem:$0x18200] =	vst v63  }
0x1a: {  	_ =	swait.ge [sflag:s9], $0x20  }
0x1b: {  	[sflag:s9] =	ssyncset.done $0x0  }
0x1c: {  	[sflag:s9] =	ssyncadd.s32 $0xFFFFFFE0  }
0x1d: {  	v3 =	vld [tilespmem:$0x0];
	_ =	sdelay $0x4  }
0x1e: {  	v4 =	vshrl.u32 v3, $0x3  }
0x1f: {  	v4 =	vmul.u32 $0x30, v4  }
0x20: {  	v3 =	vand.u32 $0x7, v3  }
0x21: {  	v3 =	vor.u32 v3, v4  }
0x22: {  	v4 =	vperm.xlane v3, v0;
	_ =	sdelay $0x1  }
0x23: {  	v4 =	vadd.s32 v1, v4;
	_ =	sdelay $0x3  }
0x24: {  	v3 =	vperm.xlane v3, v2  }
0x25: {  	[tilespmem:s10], [sflag:$0x1] =	stream.indirect_vreg.gather [hbm4b:s2+s3], $0x80, v4, vm0, $0xb8;
	[tilespmem:$0x18200] =	vst v63  }
0x26: {  	v3 =	vadd.s32 v1, v3  }
0x27: {  	[tilespmem:s11], [sflag:$0x1] =	stream.indirect_vreg.gather [hbm4b:s5+s3], $0x80, v4, vm0, $0xb8;
	[tilespmem:$0x18200] =	vst v63  }
0x28: {  	_ = 	snop  }
0x29: {  	[tilespmem:s12], [sflag:$0x1] =	stream.indirect_vreg.gather [hbm4b:s6+s3], $0x80, v4, vm0, $0xb8;
	[tilespmem:$0x18200] =	vst v63  }
0x2a: {  	_ = 	snop  }
0x2b: {  	[tilespmem:s13], [sflag:$0x1] =	stream.indirect_vreg.gather [hbm4b:s2+s3], $0x80, v3, vm0, $0xb8;
	[tilespmem:$0x18200] =	vst v63  }
0x2c: {  	_ = 	snop  }
0x2d: {  	[tilespmem:s14], [sflag:$0x1] =	stream.indirect_vreg.gather [hbm4b:s5+s3], $0x80, v3, vm0, $0xb8;
	[tilespmem:$0x18200] =	vst v63  }
0x2e: {  	_ = 	snop  }
0x2f: {  	[tilespmem:s15], [sflag:$0x1] =	stream.indirect_vreg.gather [hbm4b:s6+s3], $0x80, v3, vm0, $0xb8;
	[tilespmem:$0x18200] =	vst v63  }
0x30: {  	v3 =	vld [tilespmem:$0x10];
	_ =	sdelay $0x4  }
0x31: {  	v63 =	vshrl.u32 v3, $0x3  }
0x32: {  	v4 =	vmul.u32 $0x30, v63  }
0x33: {  	v3 =	vand.u32 $0x7, v3  }
0x34: {  	v3 =	vor.u32 v3, v4  }
0x35: {  	v4 =	vperm.xlane v3, v0;
	_ =	sdelay $0x1  }
0x36: {  	v4 =	vadd.s32 v1, v4;
	_ =	sdelay $0x3  }
0x37: {  	v3 =	vperm.xlane v3, v2  }
0x38: {  	[tilespmem:s16], [sflag:$0x1] =	stream.indirect_vreg.gather [hbm4b:s2+s3], $0x80, v4, vm0, $0xb8;
	[tilespmem:$0x18200] =	vst v63  }
0x39: {  	v3 =	vadd.s32 v1, v3  }
0x3a: {  	[tilespmem:s17], [sflag:$0x1] =	stream.indirect_vreg.gather [hbm4b:s5+s3], $0x80, v4, vm0, $0xb8;
	[tilespmem:$0x18200] =	vst v63  }
0x3b: {  	_ = 	snop  }
0x3c: {  	[tilespmem:s18], [sflag:$0x1] =	stream.indirect_vreg.gather [hbm4b:s6+s3], $0x80, v4, vm0, $0xb8;
	[tilespmem:$0x18200] =	vst v63  }
0x3d: {  	_ = 	snop  }
0x3e: {  	[tilespmem:s19], [sflag:$0x1] =	stream.indirect_vreg.gather [hbm4b:s2+s3], $0x80, v3, vm0, $0xb8;
	[tilespmem:$0x18200] =	vst v63  }
0x3f: {  	_ = 	snop  }
0x40: {  	[tilespmem:s20], [sflag:$0x1] =	stream.indirect_vreg.gather [hbm4b:s5+s3], $0x80, v3, vm0, $0xb8;
	[tilespmem:$0x18200] =	vst v63  }
0x41: {  	_ = 	snop  }
0x42: {  	[tilespmem:s21], [sflag:$0x1] =	stream.indirect_vreg.gather [hbm4b:s6+s3], $0x80, v3, vm0, $0xb8;
	[tilespmem:$0x18200] =	vst v63  }
0x43: {  	_ =	swait.ge [sflag:s22], $0x6000  }
0x44: {  	p0 =	sne.s32 s8, $0x1;
	[sflag:s22] =	ssyncset.done $0x0  }
.Ltmp0:
0x45: {  	[sflag:s22] =	ssyncadd.s32 $0xFFFFA000;
	(pc) =	sbr.rel @p0 .LBB2_1-.Ltmp0, $4  }
0x46: {  	[hbm4b:s7+s3] =	stream.linear.scatter [tilespmem:s10], [sflag:$0x2], $0x6000, $0x38;
	[tilespmem:$0x18200] =	vst v63  }
0x47: {  	_ =	swait.ge [sflag:s23], $0x6000  }
0x48: {  	[sflag:s23] =	ssyncset.done $0x0  }
0x49: {  	s8 =	sadd.s32 $0xFFFFFFFF, s8;
	[sflag:s23] =	ssyncadd.s32 $0xFFFFA000  }
0x4a: {  	_ =	sfence.sel $0x180000  }
0x4b: {  	[bflag:$0x0] =	sbarrier.arrive $0xFFFF  }
0x4c: {  	p0 =	sne.s32 s1, $0x0;
	_ =	strace $0x90000047  }
0x4d: {  	s0 =	sadd.s32 @!p0 $0x100000, s0;
	[bflag:$0x2] =	sbarrier.arrive $0xFFFF  }
0x4e: {  	[sflag:s0] =	ssyncadd.tile.s32 @!p0 $0x1;
	_ =	shalt  }
.Lfunc_end2:
_tile_overlayer_lowered:
.L_overlay_start_2:
0x4f: {  	(tag) =	ssettag $0x2  }
0x50: {  	s0 =	rddreg [dreg:$0x0];
	s2 =	stileid.u32  }
0x51: {  	s1 =	rddreg [dreg:$0x1];
	p0 =	sne.s32 s2, $0x0  }
0x52: {  	s3 =	rddreg [dreg:$0x2];
	[bflag:$0x3] =	sbarrier.arrive $0xFFFF;
	s2 =	simm.s32 @!p0 $0x1C03  }
0x53: {  	[timem:s3], [sflag:s2] =	dma.local @!p0 [hbm:s0], s1  }
0x54: {  	s0 =	simm.s32 @!p0 $0x3  }
0x55: {  	_ =	swait.ge @!p0 [sflag:s0], s1  }
0x56: {  	s1 =	ssub.s32 @!p0 $0x0, s1;
	[sflag:s0] =	ssyncset.done @!p0 $0x0  }
0x57: {  	[sflag:s0] =	ssyncadd.s32 @!p0 s1  }
0x58: {  	[bflag:$0x3] =	sbarrier.arrive $0xFFFF  }
0x59: {  	_ =	shalt  }

</sc_bundles>
